<compile_context>
chip_gen: v7x
topology: tpu7x:2x2x1
jax: 0.10.2.dev20260603
libtpu: 0.0.44.dev20260713+nightly
codegen_flags: <defaults>
</compile_context>

<pallas_src>
import functools

import jax
import jax.numpy as jnp
from jax import lax
from jax.experimental import pallas as pl
from jax.experimental.pallas import tpu as pltpu
from jax.experimental.pallas import tpu_sc as plsc

_LANES = 16


def _sc_bias_rows_body(rows_per_w, n_sel, nc, sel_hbm, bias_hbm, out_hbm,
                       idx_v, bias_v, chunk_v):
    wid = lax.axis_index("s") * nc + lax.axis_index("c")
    pltpu.sync_copy(sel_hbm, idx_v)
    pltpu.sync_copy(bias_hbm, bias_v)
    bias_vec = bias_v[...]
    zeros = jnp.zeros((_LANES,), jnp.float32)

    @pl.loop(0, rows_per_w // _LANES, unroll=8)
    def _zero(i):
        chunk_v[pl.ds(i * _LANES, _LANES)] = zeros

    base = wid * rows_per_w

    @pl.loop(0, n_sel // _LANES, unroll=8)
    def _scat(i):
        idx = idx_v[pl.ds(i * _LANES, _LANES)]
        in_slab = (idx >= base) & (idx < base + rows_per_w)
        loc = jnp.where(in_slab, idx - base, 0)
        plsc.store_scatter(chunk_v, [loc], bias_vec, mask=in_slab)

    pltpu.sync_copy(chunk_v, out_hbm.at[pl.ds(base, rows_per_w)])


def _tc_add_body(data_ref, bias_ref, out_ref):
    b = bias_ref[...]
    out_ref[...] = data_ref[...] + lax.broadcast_in_dim(
        b, data_ref.shape, (0,))


@jax.jit
def kernel(data, selection, bias):
    n, d = data.shape
    n_sel = selection.shape[0]
    info = plsc.get_sparse_core_info()
    nc = info.num_cores
    nw = nc * info.num_subcores
    rows_per_w = n // nw

    bias16 = jnp.full((_LANES,), bias, dtype=jnp.float32)
    sc_call = pl.kernel(
        functools.partial(_sc_bias_rows_body, rows_per_w, n_sel, nc),
        out_type=jax.ShapeDtypeStruct((n,), jnp.float32),
        mesh=plsc.VectorSubcoreMesh(core_axis_name="c", subcore_axis_name="s"),
        scratch_types=[
            pltpu.VMEM((n_sel,), jnp.int32),
            pltpu.VMEM((_LANES,), jnp.float32),
            pltpu.VMEM((rows_per_w,), jnp.float32),
        ],
        compiler_params=pltpu.CompilerParams(needs_layout_passes=False),
    )
    bias_rows = sc_call(selection, bias16)

    br = 8192
    out = pl.pallas_call(
        _tc_add_body,
        out_shape=jax.ShapeDtypeStruct((n, d), jnp.float32),
        grid=(n // br,),
        in_specs=[
            pl.BlockSpec((br, d), lambda i: (i, 0)),
            pl.BlockSpec((br,), lambda i: (i,)),
        ],
        out_specs=pl.BlockSpec((br, d), lambda i: (i, 0)),
    )(data, bias_rows)
    return out

# --- scband reference (transcript-rebuilt; emitter-appended) ---
"""Pipeline reference for scband-random-bias-shift-1803886265689 (READ-ONLY COPY).

The authoritative reference and input builder live on the scoring server;
editing this copy changes nothing except your own understanding.
"""

import jax, jax.numpy as jnp
import numpy as np

N_TS = 65536
D = 256
F = 4096
LB = 0.01
HB = 0.1


def setup_inputs(seed: int = 0) -> dict:
    key = jax.random.key(seed)
    data = jax.random.normal(key, (N_TS, D), dtype=jnp.float32)
    # Deterministic stand-in for np.random.choice(n_ts, f, replace=False)
    sel_key = jax.random.fold_in(key, 1)
    selection = jax.random.permutation(sel_key, N_TS)[:F].astype(jnp.int32)
    # Deterministic stand-in for (hb - lb) * np.random.random_sample() + lb
    bias_key = jax.random.fold_in(key, 2)
    u = jax.random.uniform(bias_key, (), dtype=jnp.float32)
    bias = (HB - LB) * u + LB
    return {"data": data, "selection": selection, "bias": bias}


def reference(data, selection, bias):
    # torch: data_to_shift = data[selection, :]; data[selection, :] = bias + data_to_shift
    data_to_shift = jnp.take(data, selection, axis=0)
    out = data.at[selection].set(bias + data_to_shift)
    return out

if __name__ == "__main__":
    import jax
    _d = setup_inputs()
    print(jax.jit(kernel)(*tuple(_d.values())))

</pallas_src>

<mosaic_0001>
#map = affine_map<(d0, d1) -> (0)>
module attributes {stable_mosaic.version = 14 : i64} {
  func.func @_sc_bias_rows_body(%arg0: i32, %arg1: i32, %arg2: memref<4096xi32, #tpu.memory_space<hbm>>, %arg3: memref<16xf32, #tpu.memory_space<hbm>>, %arg4: memref<65536xf32, #tpu.memory_space<hbm>>, %arg5: memref<4096xi32, #tpu.memory_space<vmem>>, %arg6: memref<16xf32, #tpu.memory_space<vmem>>, %arg7: memref<2048xf32, #tpu.memory_space<vmem>>) attributes {dimension_semantics = [#tpu.dimension_semantics<core_parallel>, #tpu.dimension_semantics<subcore_parallel>], iteration_bounds = array<i64: 2, 16>, scalar_prefetch = 0 : i64, scratch_operands = 3 : i64, tpu.core_type = #tpu.core_type<sc_vector_subcore>, window_params = [{transform_indices = #map}, {transform_indices = #map}, {transform_indices = #map}]} {
    %mul3A = arith.constant 2 : i32
    %mul3A_0 = arith.muli %arg1, %mul3A : i32
    %add3A = arith.addi %mul3A_0, %arg0 : i32
    "tpu.region"() ({
      %run_scoped3A = tpu.sem_alloc : memref<!tpu.dma_semaphore, #tpu.memory_space<semaphore_mem>>
      tpu.enqueue_dma source(%arg2 : memref<4096xi32, #tpu.memory_space<hbm>>) target(%arg5 : memref<4096xi32, #tpu.memory_space<vmem>>) target_semaphore(%run_scoped3A : memref<!tpu.dma_semaphore, #tpu.memory_space<semaphore_mem>>)
      tpu.wait_dma2 semaphore(%run_scoped3A : memref<!tpu.dma_semaphore, #tpu.memory_space<semaphore_mem>>) src(%arg2 : memref<4096xi32, #tpu.memory_space<hbm>>) dst(%arg5 : memref<4096xi32, #tpu.memory_space<vmem>>)
      tpu.yield
    }) : () -> ()
    "tpu.region"() ({
      %run_scoped3A = tpu.sem_alloc : memref<!tpu.dma_semaphore, #tpu.memory_space<semaphore_mem>>
      tpu.enqueue_dma source(%arg3 : memref<16xf32, #tpu.memory_space<hbm>>) target(%arg6 : memref<16xf32, #tpu.memory_space<vmem>>) target_semaphore(%run_scoped3A : memref<!tpu.dma_semaphore, #tpu.memory_space<semaphore_mem>>)
      tpu.wait_dma2 semaphore(%run_scoped3A : memref<!tpu.dma_semaphore, #tpu.memory_space<semaphore_mem>>) src(%arg3 : memref<16xf32, #tpu.memory_space<hbm>>) dst(%arg6 : memref<16xf32, #tpu.memory_space<vmem>>)
      tpu.yield
    }) : () -> ()
    %get3A = arith.constant 0 : index
    %get3A_1 = tpu.vector_load %arg6[%get3A] {strides = array<i32>} : memref<16xf32, #tpu.memory_space<vmem>>, vector<16xf32>,
    %broadcast_in_dim3A = arith.constant 0.000000e+00 : f32
    %broadcast_in_dim3A_2 = vector.broadcast %broadcast_in_dim3A : f32 to vector<16xf32>
    %scan3A = arith.constant 0 : i32
    %scan3A_3 = arith.constant 128 : i32
    %scan3A_4 = arith.addi %scan3A, %scan3A_3 : i32
    %scan3A_5 = arith.constant 8 : i32
    scf.for %scan3A_14 = %scan3A to %scan3A_4 step %scan3A_5  : i32 {
      %mul3A_15 = arith.constant 1 : i32
      %mul3A_16 = arith.muli %scan3A_14, %mul3A_15 : i32
      %add3A_17 = arith.constant 0 : i32
      %add3A_18 = arith.addi %add3A_17, %mul3A_16 : i32
      %mul3A_19 = arith.constant 16 : i32
      %mul3A_20 = arith.muli %add3A_18, %mul3A_19 : i32
      %swap3A = arith.index_cast %mul3A_20 : i32 to index
      %swap3A_21 = tpu.vector_load %arg7[%swap3A] {strides = array<i32>} : memref<2048xf32, #tpu.memory_space<vmem>>, vector<16xf32>,
      tpu.vector_store %arg7[%swap3A], %broadcast_in_dim3A_2 {strides = array<i32>} : memref<2048xf32, #tpu.memory_space<vmem>>, vector<16xf32>,
      %scan3A_22 = arith.constant 1 : i32
      %scan3A_23 = arith.addi %scan3A_14, %scan3A_22 : i32
      %mul3A_24 = arith.constant 1 : i32
      %mul3A_25 = arith.muli %scan3A_23, %mul3A_24 : i32
      %add3A_26 = arith.constant 0 : i32
      %add3A_27 = arith.addi %add3A_26, %mul3A_25 : i32
      %mul3A_28 = arith.constant 16 : i32
      %mul3A_29 = arith.muli %add3A_27, %mul3A_28 : i32
      %swap3A_30 = arith.index_cast %mul3A_29 : i32 to index
      %swap3A_31 = tpu.vector_load %arg7[%swap3A_30] {strides = array<i32>} : memref<2048xf32, #tpu.memory_space<vmem>>, vector<16xf32>,
      tpu.vector_store %arg7[%swap3A_30], %broadcast_in_dim3A_2 {strides = array<i32>} : memref<2048xf32, #tpu.memory_space<vmem>>, vector<16xf32>,
      %scan3A_32 = arith.constant 2 : i32
      %scan3A_33 = arith.addi %scan3A_14, %scan3A_32 : i32
      %mul3A_34 = arith.constant 1 : i32
      %mul3A_35 = arith.muli %scan3A_33, %mul3A_34 : i32
      %add3A_36 = arith.constant 0 : i32
      %add3A_37 = arith.addi %add3A_36, %mul3A_35 : i32
      %mul3A_38 = arith.constant 16 : i32
      %mul3A_39 = arith.muli %add3A_37, %mul3A_38 : i32
      %swap3A_40 = arith.index_cast %mul3A_39 : i32 to index
      %swap3A_41 = tpu.vector_load %arg7[%swap3A_40] {strides = array<i32>} : memref<2048xf32, #tpu.memory_space<vmem>>, vector<16xf32>,
      tpu.vector_store %arg7[%swap3A_40], %broadcast_in_dim3A_2 {strides = array<i32>} : memref<2048xf32, #tpu.memory_space<vmem>>, vector<16xf32>,
      %scan3A_42 = arith.constant 3 : i32
      %scan3A_43 = arith.addi %scan3A_14, %scan3A_42 : i32
      %mul3A_44 = arith.constant 1 : i32
      %mul3A_45 = arith.muli %scan3A_43, %mul3A_44 : i32
      %add3A_46 = arith.constant 0 : i32
      %add3A_47 = arith.addi %add3A_46, %mul3A_45 : i32
      %mul3A_48 = arith.constant 16 : i32
      %mul3A_49 = arith.muli %add3A_47, %mul3A_48 : i32
      %swap3A_50 = arith.index_cast %mul3A_49 : i32 to index
      %swap3A_51 = tpu.vector_load %arg7[%swap3A_50] {strides = array<i32>} : memref<2048xf32, #tpu.memory_space<vmem>>, vector<16xf32>,
      tpu.vector_store %arg7[%swap3A_50], %broadcast_in_dim3A_2 {strides = array<i32>} : memref<2048xf32, #tpu.memory_space<vmem>>, vector<16xf32>,
      %scan3A_52 = arith.constant 4 : i32
      %scan3A_53 = arith.addi %scan3A_14, %scan3A_52 : i32
      %mul3A_54 = arith.constant 1 : i32
      %mul3A_55 = arith.muli %scan3A_53, %mul3A_54 : i32
      %add3A_56 = arith.constant 0 : i32
      %add3A_57 = arith.addi %add3A_56, %mul3A_55 : i32
      %mul3A_58 = arith.constant 16 : i32
      %mul3A_59 = arith.muli %add3A_57, %mul3A_58 : i32
      %swap3A_60 = arith.index_cast %mul3A_59 : i32 to index
      %swap3A_61 = tpu.vector_load %arg7[%swap3A_60] {strides = array<i32>} : memref<2048xf32, #tpu.memory_space<vmem>>, vector<16xf32>,
      tpu.vector_store %arg7[%swap3A_60], %broadcast_in_dim3A_2 {strides = array<i32>} : memref<2048xf32, #tpu.memory_space<vmem>>, vector<16xf32>,
      %scan3A_62 = arith.constant 5 : i32
      %scan3A_63 = arith.addi %scan3A_14, %scan3A_62 : i32
      %mul3A_64 = arith.constant 1 : i32
      %mul3A_65 = arith.muli %scan3A_63, %mul3A_64 : i32
      %add3A_66 = arith.constant 0 : i32
      %add3A_67 = arith.addi %add3A_66, %mul3A_65 : i32
      %mul3A_68 = arith.constant 16 : i32
      %mul3A_69 = arith.muli %add3A_67, %mul3A_68 : i32
      %swap3A_70 = arith.index_cast %mul3A_69 : i32 to index
      %swap3A_71 = tpu.vector_load %arg7[%swap3A_70] {strides = array<i32>} : memref<2048xf32, #tpu.memory_space<vmem>>, vector<16xf32>,
      tpu.vector_store %arg7[%swap3A_70], %broadcast_in_dim3A_2 {strides = array<i32>} : memref<2048xf32, #tpu.memory_space<vmem>>, vector<16xf32>,
      %scan3A_72 = arith.constant 6 : i32
      %scan3A_73 = arith.addi %scan3A_14, %scan3A_72 : i32
      %mul3A_74 = arith.constant 1 : i32
      %mul3A_75 = arith.muli %scan3A_73, %mul3A_74 : i32
      %add3A_76 = arith.constant 0 : i32
      %add3A_77 = arith.addi %add3A_76, %mul3A_75 : i32
      %mul3A_78 = arith.constant 16 : i32
      %mul3A_79 = arith.muli %add3A_77, %mul3A_78 : i32
      %swap3A_80 = arith.index_cast %mul3A_79 : i32 to index
      %swap3A_81 = tpu.vector_load %arg7[%swap3A_80] {strides = array<i32>} : memref<2048xf32, #tpu.memory_space<vmem>>, vector<16xf32>,
      tpu.vector_store %arg7[%swap3A_80], %broadcast_in_dim3A_2 {strides = array<i32>} : memref<2048xf32, #tpu.memory_space<vmem>>, vector<16xf32>,
      %scan3A_82 = arith.constant 7 : i32
      %scan3A_83 = arith.addi %scan3A_14, %scan3A_82 : i32
      %mul3A_84 = arith.constant 1 : i32
      %mul3A_85 = arith.muli %scan3A_83, %mul3A_84 : i32
      %add3A_86 = arith.constant 0 : i32
      %add3A_87 = arith.addi %add3A_86, %mul3A_85 : i32
      %mul3A_88 = arith.constant 16 : i32
      %mul3A_89 = arith.muli %add3A_87, %mul3A_88 : i32
      %swap3A_90 = arith.index_cast %mul3A_89 : i32 to index
      %swap3A_91 = tpu.vector_load %arg7[%swap3A_90] {strides = array<i32>} : memref<2048xf32, #tpu.memory_space<vmem>>, vector<16xf32>,
      tpu.vector_store %arg7[%swap3A_90], %broadcast_in_dim3A_2 {strides = array<i32>} : memref<2048xf32, #tpu.memory_space<vmem>>, vector<16xf32>,
    }
    %scan3A_6 = arith.constant 128 : i32
    %mul3A_7 = arith.constant 2048 : i32
    %mul3A_8 = arith.muli %add3A, %mul3A_7 : i32
    %scan3A_9 = arith.constant 0 : i32
    %scan3A_10 = arith.constant 256 : i32
    %scan3A_11 = arith.addi %scan3A_9, %scan3A_10 : i32
    %scan3A_12 = arith.constant 8 : i32
    scf.for %scan3A_14 = %scan3A_9 to %scan3A_11 step %scan3A_12  : i32 {
      %mul3A_15 = arith.constant 1 : i32
      %mul3A_16 = arith.muli %scan3A_14, %mul3A_15 : i32
      %add3A_17 = arith.constant 0 : i32
      %add3A_18 = arith.addi %add3A_17, %mul3A_16 : i32
      %mul3A_19 = arith.constant 16 : i32
      %mul3A_20 = arith.muli %add3A_18, %mul3A_19 : i32
      %get3A_21 = arith.index_cast %mul3A_20 : i32 to index
      %get3A_22 = tpu.vector_load %arg5[%get3A_21] {strides = array<i32>} : memref<4096xi32, #tpu.memory_space<vmem>>, vector<16xi32>,
      %ge3A = vector.broadcast %mul3A_8 : i32 to vector<16xi32>
      %ge3A_23 = arith.cmpi sge, %get3A_22, %ge3A : vector<16xi32>
      %add3A_24 = arith.constant 2048 : i32
      %add3A_25 = arith.addi %mul3A_8, %add3A_24 : i32
      %lt3A = vector.broadcast %add3A_25 : i32 to vector<16xi32>
      %lt3A_26 = arith.cmpi slt, %get3A_22, %lt3A : vector<16xi32>
      %and3A = arith.andi %ge3A_23, %lt3A_26 : vector<16xi1>
      %sub3A = vector.broadcast %mul3A_8 : i32 to vector<16xi32>
      %sub3A_27 = arith.subi %get3A_22, %sub3A : vector<16xi32>
      %jit3A = arith.constant 0 : i32
      %broadcast_in_dim3A_28 = vector.broadcast %jit3A : i32 to vector<16xi32>
      %select_n3A = arith.select %and3A, %sub3A_27, %broadcast_in_dim3A_28 : vector<16xi1>, vector<16xi32>
      tpu.vector_store_idx %arg7[%select_n3A], %get3A_1 masked %and3A : memref<2048xf32, #tpu.memory_space<vmem>>[vector<16xi32>], vector<16xf32>, vector<16xi1>
      %scan3A_29 = arith.constant 1 : i32
      %scan3A_30 = arith.addi %scan3A_14, %scan3A_29 : i32
      %mul3A_31 = arith.constant 1 : i32
      %mul3A_32 = arith.muli %scan3A_30, %mul3A_31 : i32
      %add3A_33 = arith.constant 0 : i32
      %add3A_34 = arith.addi %add3A_33, %mul3A_32 : i32
      %mul3A_35 = arith.constant 16 : i32
      %mul3A_36 = arith.muli %add3A_34, %mul3A_35 : i32
      %get3A_37 = arith.index_cast %mul3A_36 : i32 to index
      %get3A_38 = tpu.vector_load %arg5[%get3A_37] {strides = array<i32>} : memref<4096xi32, #tpu.memory_space<vmem>>, vector<16xi32>,
      %ge3A_39 = vector.broadcast %mul3A_8 : i32 to vector<16xi32>
      %ge3A_40 = arith.cmpi sge, %get3A_38, %ge3A_39 : vector<16xi32>
      %add3A_41 = arith.constant 2048 : i32
      %add3A_42 = arith.addi %mul3A_8, %add3A_41 : i32
      %lt3A_43 = vector.broadcast %add3A_42 : i32 to vector<16xi32>
      %lt3A_44 = arith.cmpi slt, %get3A_38, %lt3A_43 : vector<16xi32>
      %and3A_45 = arith.andi %ge3A_40, %lt3A_44 : vector<16xi1>
      %sub3A_46 = vector.broadcast %mul3A_8 : i32 to vector<16xi32>
      %sub3A_47 = arith.subi %get3A_38, %sub3A_46 : vector<16xi32>
      %jit3A_48 = arith.constant 0 : i32
      %broadcast_in_dim3A_49 = vector.broadcast %jit3A_48 : i32 to vector<16xi32>
      %select_n3A_50 = arith.select %and3A_45, %sub3A_47, %broadcast_in_dim3A_49 : vector<16xi1>, vector<16xi32>
      tpu.vector_store_idx %arg7[%select_n3A_50], %get3A_1 masked %and3A_45 : memref<2048xf32, #tpu.memory_space<vmem>>[vector<16xi32>], vector<16xf32>, vector<16xi1>
      %scan3A_51 = arith.constant 2 : i32
      %scan3A_52 = arith.addi %scan3A_14, %scan3A_51 : i32
      %mul3A_53 = arith.constant 1 : i32
      %mul3A_54 = arith.muli %scan3A_52, %mul3A_53 : i32
      %add3A_55 = arith.constant 0 : i32
      %add3A_56 = arith.addi %add3A_55, %mul3A_54 : i32
      %mul3A_57 = arith.constant 16 : i32
      %mul3A_58 = arith.muli %add3A_56, %mul3A_57 : i32
      %get3A_59 = arith.index_cast %mul3A_58 : i32 to index
      %get3A_60 = tpu.vector_load %arg5[%get3A_59] {strides = array<i32>} : memref<4096xi32, #tpu.memory_space<vmem>>, vector<16xi32>,
      %ge3A_61 = vector.broadcast %mul3A_8 : i32 to vector<16xi32>
      %ge3A_62 = arith.cmpi sge, %get3A_60, %ge3A_61 : vector<16xi32>
      %add3A_63 = arith.constant 2048 : i32
      %add3A_64 = arith.addi %mul3A_8, %add3A_63 : i32
      %lt3A_65 = vector.broadcast %add3A_64 : i32 to vector<16xi32>
      %lt3A_66 = arith.cmpi slt, %get3A_60, %lt3A_65 : vector<16xi32>
      %and3A_67 = arith.andi %ge3A_62, %lt3A_66 : vector<16xi1>
      %sub3A_68 = vector.broadcast %mul3A_8 : i32 to vector<16xi32>
      %sub3A_69 = arith.subi %get3A_60, %sub3A_68 : vector<16xi32>
      %jit3A_70 = arith.constant 0 : i32
      %broadcast_in_dim3A_71 = vector.broadcast %jit3A_70 : i32 to vector<16xi32>
      %select_n3A_72 = arith.select %and3A_67, %sub3A_69, %broadcast_in_dim3A_71 : vector<16xi1>, vector<16xi32>
      tpu.vector_store_idx %arg7[%select_n3A_72], %get3A_1 masked %and3A_67 : memref<2048xf32, #tpu.memory_space<vmem>>[vector<16xi32>], vector<16xf32>, vector<16xi1>
      %scan3A_73 = arith.constant 3 : i32
      %scan3A_74 = arith.addi %scan3A_14, %scan3A_73 : i32
      %mul3A_75 = arith.constant 1 : i32
      %mul3A_76 = arith.muli %scan3A_74, %mul3A_75 : i32
      %add3A_77 = arith.constant 0 : i32
      %add3A_78 = arith.addi %add3A_77, %mul3A_76 : i32
      %mul3A_79 = arith.constant 16 : i32
      %mul3A_80 = arith.muli %add3A_78, %mul3A_79 : i32
      %get3A_81 = arith.index_cast %mul3A_80 : i32 to index
      %get3A_82 = tpu.vector_load %arg5[%get3A_81] {strides = array<i32>} : memref<4096xi32, #tpu.memory_space<vmem>>, vector<16xi32>,
      %ge3A_83 = vector.broadcast %mul3A_8 : i32 to vector<16xi32>
      %ge3A_84 = arith.cmpi sge, %get3A_82, %ge3A_83 : vector<16xi32>
      %add3A_85 = arith.constant 2048 : i32
      %add3A_86 = arith.addi %mul3A_8, %add3A_85 : i32
      %lt3A_87 = vector.broadcast %add3A_86 : i32 to vector<16xi32>
      %lt3A_88 = arith.cmpi slt, %get3A_82, %lt3A_87 : vector<16xi32>
      %and3A_89 = arith.andi %ge3A_84, %lt3A_88 : vector<16xi1>
      %sub3A_90 = vector.broadcast %mul3A_8 : i32 to vector<16xi32>
      %sub3A_91 = arith.subi %get3A_82, %sub3A_90 : vector<16xi32>
      %jit3A_92 = arith.constant 0 : i32
      %broadcast_in_dim3A_93 = vector.broadcast %jit3A_92 : i32 to vector<16xi32>
      %select_n3A_94 = arith.select %and3A_89, %sub3A_91, %broadcast_in_dim3A_93 : vector<16xi1>, vector<16xi32>
      tpu.vector_store_idx %arg7[%select_n3A_94], %get3A_1 masked %and3A_89 : memref<2048xf32, #tpu.memory_space<vmem>>[vector<16xi32>], vector<16xf32>, vector<16xi1>
      %scan3A_95 = arith.constant 4 : i32
      %scan3A_96 = arith.addi %scan3A_14, %scan3A_95 : i32
      %mul3A_97 = arith.constant 1 : i32
      %mul3A_98 = arith.muli %scan3A_96, %mul3A_97 : i32
      %add3A_99 = arith.constant 0 : i32
      %add3A_100 = arith.addi %add3A_99, %mul3A_98 : i32
      %mul3A_101 = arith.constant 16 : i32
      %mul3A_102 = arith.muli %add3A_100, %mul3A_101 : i32
      %get3A_103 = arith.index_cast %mul3A_102 : i32 to index
      %get3A_104 = tpu.vector_load %arg5[%get3A_103] {strides = array<i32>} : memref<4096xi32, #tpu.memory_space<vmem>>, vector<16xi32>,
      %ge3A_105 = vector.broadcast %mul3A_8 : i32 to vector<16xi32>
      %ge3A_106 = arith.cmpi sge, %get3A_104, %ge3A_105 : vector<16xi32>
      %add3A_107 = arith.constant 2048 : i32
      %add3A_108 = arith.addi %mul3A_8, %add3A_107 : i32
      %lt3A_109 = vector.broadcast %add3A_108 : i32 to vector<16xi32>
      %lt3A_110 = arith.cmpi slt, %get3A_104, %lt3A_109 : vector<16xi32>
      %and3A_111 = arith.andi %ge3A_106, %lt3A_110 : vector<16xi1>
      %sub3A_112 = vector.broadcast %mul3A_8 : i32 to vector<16xi32>
      %sub3A_113 = arith.subi %get3A_104, %sub3A_112 : vector<16xi32>
      %jit3A_114 = arith.constant 0 : i32
      %broadcast_in_dim3A_115 = vector.broadcast %jit3A_114 : i32 to vector<16xi32>
      %select_n3A_116 = arith.select %and3A_111, %sub3A_113, %broadcast_in_dim3A_115 : vector<16xi1>, vector<16xi32>
      tpu.vector_store_idx %arg7[%select_n3A_116], %get3A_1 masked %and3A_111 : memref<2048xf32, #tpu.memory_space<vmem>>[vector<16xi32>], vector<16xf32>, vector<16xi1>
      %scan3A_117 = arith.constant 5 : i32
      %scan3A_118 = arith.addi %scan3A_14, %scan3A_117 : i32
      %mul3A_119 = arith.constant 1 : i32
      %mul3A_120 = arith.muli %scan3A_118, %mul3A_119 : i32
      %add3A_121 = arith.constant 0 : i32
      %add3A_122 = arith.addi %add3A_121, %mul3A_120 : i32
      %mul3A_123 = arith.constant 16 : i32
      %mul3A_124 = arith.muli %add3A_122, %mul3A_123 : i32
      %get3A_125 = arith.index_cast %mul3A_124 : i32 to index
      %get3A_126 = tpu.vector_load %arg5[%get3A_125] {strides = array<i32>} : memref<4096xi32, #tpu.memory_space<vmem>>, vector<16xi32>,
      %ge3A_127 = vector.broadcast %mul3A_8 : i32 to vector<16xi32>
      %ge3A_128 = arith.cmpi sge, %get3A_126, %ge3A_127 : vector<16xi32>
      %add3A_129 = arith.constant 2048 : i32
      %add3A_130 = arith.addi %mul3A_8, %add3A_129 : i32
      %lt3A_131 = vector.broadcast %add3A_130 : i32 to vector<16xi32>
      %lt3A_132 = arith.cmpi slt, %get3A_126, %lt3A_131 : vector<16xi32>
      %and3A_133 = arith.andi %ge3A_128, %lt3A_132 : vector<16xi1>
      %sub3A_134 = vector.broadcast %mul3A_8 : i32 to vector<16xi32>
      %sub3A_135 = arith.subi %get3A_126, %sub3A_134 : vector<16xi32>
      %jit3A_136 = arith.constant 0 : i32
      %broadcast_in_dim3A_137 = vector.broadcast %jit3A_136 : i32 to vector<16xi32>
      %select_n3A_138 = arith.select %and3A_133, %sub3A_135, %broadcast_in_dim3A_137 : vector<16xi1>, vector<16xi32>
      tpu.vector_store_idx %arg7[%select_n3A_138], %get3A_1 masked %and3A_133 : memref<2048xf32, #tpu.memory_space<vmem>>[vector<16xi32>], vector<16xf32>, vector<16xi1>
      %scan3A_139 = arith.constant 6 : i32
      %scan3A_140 = arith.addi %scan3A_14, %scan3A_139 : i32
      %mul3A_141 = arith.constant 1 : i32
      %mul3A_142 = arith.muli %scan3A_140, %mul3A_141 : i32
      %add3A_143 = arith.constant 0 : i32
      %add3A_144 = arith.addi %add3A_143, %mul3A_142 : i32
      %mul3A_145 = arith.constant 16 : i32
      %mul3A_146 = arith.muli %add3A_144, %mul3A_145 : i32
      %get3A_147 = arith.index_cast %mul3A_146 : i32 to index
      %get3A_148 = tpu.vector_load %arg5[%get3A_147] {strides = array<i32>} : memref<4096xi32, #tpu.memory_space<vmem>>, vector<16xi32>,
      %ge3A_149 = vector.broadcast %mul3A_8 : i32 to vector<16xi32>
      %ge3A_150 = arith.cmpi sge, %get3A_148, %ge3A_149 : vector<16xi32>
      %add3A_151 = arith.constant 2048 : i32
      %add3A_152 = arith.addi %mul3A_8, %add3A_151 : i32
      %lt3A_153 = vector.broadcast %add3A_152 : i32 to vector<16xi32>
      %lt3A_154 = arith.cmpi slt, %get3A_148, %lt3A_153 : vector<16xi32>
      %and3A_155 = arith.andi %ge3A_150, %lt3A_154 : vector<16xi1>
      %sub3A_156 = vector.broadcast %mul3A_8 : i32 to vector<16xi32>
      %sub3A_157 = arith.subi %get3A_148, %sub3A_156 : vector<16xi32>
      %jit3A_158 = arith.constant 0 : i32
      %broadcast_in_dim3A_159 = vector.broadcast %jit3A_158 : i32 to vector<16xi32>
      %select_n3A_160 = arith.select %and3A_155, %sub3A_157, %broadcast_in_dim3A_159 : vector<16xi1>, vector<16xi32>
      tpu.vector_store_idx %arg7[%select_n3A_160], %get3A_1 masked %and3A_155 : memref<2048xf32, #tpu.memory_space<vmem>>[vector<16xi32>], vector<16xf32>, vector<16xi1>
      %scan3A_161 = arith.constant 7 : i32
      %scan3A_162 = arith.addi %scan3A_14, %scan3A_161 : i32
      %mul3A_163 = arith.constant 1 : i32
      %mul3A_164 = arith.muli %scan3A_162, %mul3A_163 : i32
      %add3A_165 = arith.constant 0 : i32
      %add3A_166 = arith.addi %add3A_165, %mul3A_164 : i32
      %mul3A_167 = arith.constant 16 : i32
      %mul3A_168 = arith.muli %add3A_166, %mul3A_167 : i32
      %get3A_169 = arith.index_cast %mul3A_168 : i32 to index
      %get3A_170 = tpu.vector_load %arg5[%get3A_169] {strides = array<i32>} : memref<4096xi32, #tpu.memory_space<vmem>>, vector<16xi32>,
      %ge3A_171 = vector.broadcast %mul3A_8 : i32 to vector<16xi32>
      %ge3A_172 = arith.cmpi sge, %get3A_170, %ge3A_171 : vector<16xi32>
      %add3A_173 = arith.constant 2048 : i32
      %add3A_174 = arith.addi %mul3A_8, %add3A_173 : i32
      %lt3A_175 = vector.broadcast %add3A_174 : i32 to vector<16xi32>
      %lt3A_176 = arith.cmpi slt, %get3A_170, %lt3A_175 : vector<16xi32>
      %and3A_177 = arith.andi %ge3A_172, %lt3A_176 : vector<16xi1>
      %sub3A_178 = vector.broadcast %mul3A_8 : i32 to vector<16xi32>
      %sub3A_179 = arith.subi %get3A_170, %sub3A_178 : vector<16xi32>
      %jit3A_180 = arith.constant 0 : i32
      %broadcast_in_dim3A_181 = vector.broadcast %jit3A_180 : i32 to vector<16xi32>
      %select_n3A_182 = arith.select %and3A_177, %sub3A_179, %broadcast_in_dim3A_181 : vector<16xi1>, vector<16xi32>
      tpu.vector_store_idx %arg7[%select_n3A_182], %get3A_1 masked %and3A_177 : memref<2048xf32, #tpu.memory_space<vmem>>[vector<16xi32>], vector<16xf32>, vector<16xi1>
    }
    %scan3A_13 = arith.constant 256 : i32
    "tpu.region"() ({
      %run_scoped3A = tpu.sem_alloc : memref<!tpu.dma_semaphore, #tpu.memory_space<semaphore_mem>>
      %dma_start3A = tpu.memref_slice %arg4[%mul3A_8] : memref<65536xf32, #tpu.memory_space<hbm>> -> memref<2048xf32, #tpu.memory_space<hbm>>
      %dma_start3A_14 = tpu.memref_slice %arg4[%mul3A_8] : memref<65536xf32, #tpu.memory_space<hbm>> -> memref<2048xf32, #tpu.memory_space<hbm>>
      tpu.enqueue_dma source(%arg7 : memref<2048xf32, #tpu.memory_space<vmem>>) target(%dma_start3A_14 : memref<2048xf32, #tpu.memory_space<hbm>>) target_semaphore(%run_scoped3A : memref<!tpu.dma_semaphore, #tpu.memory_space<semaphore_mem>>)
      %dma_wait3A = tpu.memref_slice %arg4[%mul3A_8] : memref<65536xf32, #tpu.memory_space<hbm>> -> memref<2048xf32, #tpu.memory_space<hbm>>
      %dma_wait3A_15 = tpu.memref_slice %arg4[%mul3A_8] : memref<65536xf32, #tpu.memory_space<hbm>> -> memref<2048xf32, #tpu.memory_space<hbm>>
      tpu.wait_dma2 semaphore(%run_scoped3A : memref<!tpu.dma_semaphore, #tpu.memory_space<semaphore_mem>>) src(%arg7 : memref<2048xf32, #tpu.memory_space<vmem>>) dst(%dma_wait3A_15 : memref<2048xf32, #tpu.memory_space<hbm>>)
      tpu.yield
    }) : () -> ()
    return
  }
}

module attributes {stable_mosaic.version = 14 : i64} {
  func.func @_tc_add_body(%arg0: i32, %arg1: memref<8192x256xf32, #tpu.memory_space<vmem>>, %arg2: memref<8192xf32, #tpu.memory_space<vmem>>, %arg3: memref<8192x256xf32, #tpu.memory_space<vmem>>) attributes {dimension_semantics = [#tpu.dimension_semantics<arbitrary>], iteration_bounds = array<i64: 8>, scalar_prefetch = 0 : i64, scratch_operands = 0 : i64, tpu.core_type = #tpu.core_type<tc>, window_params = [{transform_indices = @transform_0, window_bounds = array<i64: 8192, 256>}, {transform_indices = @transform_1, window_bounds = array<i64: 8192>}, {transform_indices = @transform_2, window_bounds = array<i64: 8192, 256>}]} {
    %get3A = arith.constant 0 : index
    %get3A_0 = vector.load %arg2[%get3A] : memref<8192xf32, #tpu.memory_space<vmem>>, vector<8192xf32>
    %get3A_1 = arith.constant 0 : index
    %get3A_2 = arith.constant 0 : index
    %get3A_3 = vector.load %arg1[%get3A_1, %get3A_2] : memref<8192x256xf32, #tpu.memory_space<vmem>>, vector<8192x256xf32>
    %broadcast_in_dim3A = vector.shape_cast %get3A_0 : vector<8192xf32> to vector<8192x1xf32>
    %broadcast_in_dim3A_4 = vector.broadcast %broadcast_in_dim3A : vector<8192x1xf32> to vector<8192x256xf32>
    %add3A = arith.addf %get3A_3, %broadcast_in_dim3A_4 : vector<8192x256xf32>
    %swap3A = arith.constant 0 : index
    %swap3A_5 = arith.constant 0 : index
    %swap3A_6 = vector.load %arg3[%swap3A, %swap3A_5] : memref<8192x256xf32, #tpu.memory_space<vmem>>, vector<8192x256xf32>
    tpu.vector_store %arg3[%swap3A, %swap3A_5], %add3A {strides = array<i32>} : memref<8192x256xf32, #tpu.memory_space<vmem>>, vector<8192x256xf32>,
    return
  }
  func.func @transform_0(%arg0: i32) -> (i32, i32) {
    %c0_i32 = arith.constant 0 : i32
    %c0_i32_0 = arith.constant 0 : i32
    return %arg0, %c0_i32 : i32, i32
  }
  func.func @transform_1(%arg0: i32) -> i32 {
    %c0_i32 = arith.constant 0 : i32
    return %arg0 : i32
  }
  func.func @transform_2(%arg0: i32) -> (i32, i32) {
    %c0_i32 = arith.constant 0 : i32
    %c0_i32_0 = arith.constant 0 : i32
    return %arg0, %c0_i32 : i32, i32
  }
}

</mosaic_0001>

<sc_bundles>
// kernel: kernel.4.cloned.1.call-start
scs
__scs_entry_jumppad:
0x0: {  	(pc) =	sbr.rel $0x88, $3  }
0x1: {  	(tag) =	ssettag $0x0;
	lr =	simm.s32 $0x1  }
0x2: {  	[smem:$0x3F9E] =	sst lr;
	_ =	strace $0xD0000000  }
0x3: {  	_ = 	snop  }
0x4: {  	_ = 	snop  }
0x5: {  	_ = 	snop  }
0x6: {  	_ = 	snop  }
0x7: {  	_ = 	snop  }
__scs_overlays_trampoline_lowered:
0x8: {  	[smem:$0x3FAD] =	sst s0  }
0x9: {  	[smem:$0x3FAE] =	sst s1  }
0xa: {  	[smem:$0x3FAF] =	sst s2  }
0xb: {  	[smem:$0x3FB0] =	sst s3  }
0xc: {  	[smem:$0x3FB1] =	sst s4  }
0xd: {  	[smem:$0x3FB2] =	sst s5  }
0xe: {  	[smem:$0x3FB3] =	sst s6  }
0xf: {  	[smem:$0x3FB4] =	sst s7  }
0x10: {  	[smem:$0x3FB5] =	sst s8  }
0x11: {  	[smem:$0x3FB6] =	sst s9;
	s0 =	simm.s32 @!p0 $0x0  }
0x12: {  	s1 =	sld [smem:$0x3F9C];
	s0 =	simm.s32 @p0 $0x1  }
0x13: {  	[smem:$0x3FB7] =	sst s0;
	s0 =	simm.s32 @!p1 $0x0  }
0x14: {  	s2 =	sld [smem:$0x3F9B];
	s0 =	simm.s32 @p1 $0x1  }
0x15: {  	[smem:$0x3FB8] =	sst s0;
	s0 =	simm.s32 @!p2 $0x0  }
0x16: {  	s3 =	sld [smem:$0x3FDB];
	s0 =	simm.s32 @p2 $0x1  }
0x17: {  	s4 =	simm.s32 $0x1BF5;
	[smem:$0x3FBA] =	sst s0  }
0x18: {  	s0 =	sld [smem:$0x3F9D];
	_ =	swait.ge [sflag:s4], $0x0  }
0x19: {  	s7 =	sld [smem:$0x3F9E]  }
0x1a: {  	s8 =	sadd.s32 $0xFFFFE003, lr  }
0x1b: {  	s9 =	sadd.s32 $0xFFFFFEF7, lr;
	s5 =	simm.s32 $0xFFFFFFFF;
	p2 =	slt.u32 s8, $0xFFFFF086  }
0x1c: {  	p1 =	slt.u32 s9, $0xF7A;
	s5 =	simm.s32 @!p2 $0x0  }
0x1d: {  	s5 =	simm.s32 @p1 $0x1;
	p0 =	seq.s32 s7, s2  }
0x1e: {  	s7 =	smul.u32 @!p0 $0xF7A, s2;
	p2 =	seq.s32 @!p0 s5, $0x0  }
0x1f: {  	s9 =	smul.u32 $0xF7A, s1;
	s8 =	simm.s32 @!p0 $0x1BF5;
	p2 =	por !p2, p0  }
0x20: {  	[sflag:s8] =	ssyncset.s32 @!p0 $0xFFFFF086;
	s6 =	sadd.s32 @!p0 s3, s7;
	s7 =	simm.s32 @!p0 $0x108  }
0x21: {  	s3 =	sadd.s32 s3, s9;
	s6 =	sadd.s32 @!p0 $0x88, s6;
	s7 =	simm.s32 @p2 $0x1082  }
0x22: {  	[simem:s7], [sflag:s8] =	dma.local @!p0 [hbm:s6], $0xF7A  }
0x23: {  	s9 =	sor.u32 $0xD0000000, s2;
	s6 =	simm.s32 $0x108;
	_ =	swait.ge @!p0 [sflag:s8], $0x0  }
0x24: {  	s3 =	sadd.s32 $0x88, s3;
	s6 =	simm.s32 @!p1 $0x1082;
	[sflag:s4] =	ssyncset.s32 $0xFFFFF086  }
0x25: {  	[simem:s6], [sflag:s4] =	dma.local [hbm:s3], $0xF7A  }
0x26: {  	[smem:$0x3F9E] =	sst s1;
	(tag) =	ssettag s2;
	_ =	strace s9  }
0x27: {  	s1 =	sld [smem:$0x3FAE]  }
0x28: {  	s2 =	sld [smem:$0x3FAF]  }
0x29: {  	s4 =	sld [smem:$0x3FB1]  }
0x2a: {  	p0 =	seq.s32 s5, $0x0;
	s5 =	sld [smem:$0x3FB2]  }
0x2b: {  	s6 =	sld [smem:$0x3FB3]  }
0x2c: {  	s7 =	sld [smem:$0x3FB4]  }
0x2d: {  	s3 =	simm.s32 $0x108;
	s8 =	sld [smem:$0x3FB5]  }
0x2e: {  	s3 =	simm.s32 @!p0 $0x1082;
	s9 =	sld [smem:$0x3FB6]  }
0x2f: {  	lr =	sadd.s32 s0, s3;
	s0 =	sld [smem:$0x3FAD]  }
0x30: {  	s3 =	sld [smem:$0x3FB0]  }
0x31: {  	[smem:$0x3FB9] =	sst s10  }
0x32: {  	s10 =	sld [smem:$0x3FB7];
	_ =	sdelay $0x3  }
0x33: {  	p0 =	seq.s32 s10, $0x1;
	s10 =	sld [smem:$0x3FB9];
	_ =	sdelay $0x3  }
0x34: {  	[smem:$0x3FB9] =	sst s10  }
0x35: {  	s10 =	sld [smem:$0x3FB8];
	_ =	sdelay $0x3  }
0x36: {  	p1 =	seq.s32 s10, $0x1;
	s10 =	sld [smem:$0x3FB9];
	_ =	sdelay $0x3  }
0x37: {  	[smem:$0x3FB9] =	sst s10  }
0x38: {  	s10 =	sld [smem:$0x3FBA]  }
0x39: {  	_ = 	snop;
	(pc) =	sbr.ind lr, $3  }
0x3a: {  	_ = 	snop  }
0x3b: {  	_ = 	snop  }
0x3c: {  	p2 =	seq.s32 s10, $0x1;
	s10 =	sld [smem:$0x3FB9]  }
0x3d: {  	_ =	shalt  }
0x3e: {  	_ =	shalt  }
0x3f: {  	_ =	shalt  }
0x40: {  	_ =	shalt  }
0x41: {  	_ =	shalt  }
0x42: {  	_ =	shalt  }
0x43: {  	_ =	shalt  }
0x44: {  	_ =	shalt  }
0x45: {  	_ =	shalt  }
0x46: {  	_ =	shalt  }
0x47: {  	_ =	shalt  }
0x48: {  	_ =	shalt  }
0x49: {  	_ =	shalt  }
0x4a: {  	_ =	shalt  }
0x4b: {  	_ =	shalt  }
0x4c: {  	_ =	shalt  }
0x4d: {  	_ =	shalt  }
0x4e: {  	_ =	shalt  }
0x4f: {  	_ =	shalt  }
0x50: {  	_ =	shalt  }
0x51: {  	_ =	shalt  }
0x52: {  	_ =	shalt  }
0x53: {  	_ =	shalt  }
0x54: {  	_ =	shalt  }
0x55: {  	_ =	shalt  }
0x56: {  	_ =	shalt  }
0x57: {  	_ =	shalt  }
0x58: {  	_ =	shalt  }
0x59: {  	_ =	shalt  }
0x5a: {  	_ =	shalt  }
0x5b: {  	_ =	shalt  }
0x5c: {  	_ =	shalt  }
0x5d: {  	_ =	shalt  }
0x5e: {  	_ =	shalt  }
0x5f: {  	_ =	shalt  }
0x60: {  	_ =	shalt  }
0x61: {  	_ =	shalt  }
0x62: {  	_ =	shalt  }
0x63: {  	_ =	shalt  }
0x64: {  	_ =	shalt  }
0x65: {  	_ =	shalt  }
0x66: {  	_ =	shalt  }
0x67: {  	_ =	shalt  }
0x68: {  	_ =	shalt  }
0x69: {  	_ =	shalt  }
0x6a: {  	_ =	shalt  }
0x6b: {  	_ =	shalt  }
0x6c: {  	_ =	shalt  }
0x6d: {  	_ =	shalt  }
0x6e: {  	_ =	shalt  }
0x6f: {  	_ =	shalt  }
0x70: {  	_ =	shalt  }
0x71: {  	_ =	shalt  }
0x72: {  	_ =	shalt  }
0x73: {  	_ =	shalt  }
0x74: {  	_ =	shalt  }
0x75: {  	_ =	shalt  }
0x76: {  	_ =	shalt  }
0x77: {  	_ =	shalt  }
0x78: {  	_ =	shalt  }
0x79: {  	_ =	shalt  }
0x7a: {  	_ =	shalt  }
0x7b: {  	_ =	shalt  }
0x7c: {  	_ =	shalt  }
0x7d: {  	_ =	shalt  }
0x7e: {  	_ =	shalt  }
0x7f: {  	_ =	shalt  }
0x80: {  	_ =	shalt  }
0x81: {  	_ =	shalt  }
0x82: {  	_ =	shalt  }
0x83: {  	_ =	shalt  }
0x84: {  	_ =	shalt  }
0x85: {  	_ =	shalt  }
0x86: {  	_ =	shalt  }
0x87: {  	_ =	shalt  }
.Lfunc_end0:
.L_simem_size_0:
called_computation_lowered:
.L_overlay_start_0:
0x88: {  	s2 =	sld [smem:$0x3FD9]  }
0x89: {  	s3 =	sld [smem:$0x3FFE];
	_ =	sdelay $0x1  }
0x8a: {  	s1 =	srdreg.scid  }
0x8b: {  	s0 =	sand.u32 $0x1, s1  }
0x8c: {  	s17 =	sshll.u32 s0, $0xA;
	s2 =	sadd.s32 s3, s2  }
0x8d: {  	s2 =	sadd.s32 s2, s17  }
0x8e: {  	[smem:$0x3FC5] =	sst s2  }
0x8f: {  	_ = 	snop  }
0x90: {  	s2 =	sld [smem:$0x3FC8]  }
0x91: {  	s18 =	sld [smem:$0x3FD0];
	(tm) =	ssettm $0x1  }
0x92: {  	s4 =	sld [smem:$0x3FFB];
	_ =	sdelay $0x3  }
0x93: {  	_ =	strace s4  }
0x94: {  	s4 =	sld [smem:$0x3FFC];
	_ =	sdelay $0x3  }
0x95: {  	_ =	strace s4  }
0x96: {  	s4 =	sld [smem:$0x3FFD];
	_ =	sdelay $0x3  }
0x97: {  	_ =	strace s4  }
0x98: {  	_ =	strace $0x8FFFFFFF  }
0x99: {  	s19 =	sld [smem:$0x3FDB];
	_ =	sdelay $0x1  }
0x9a: {  	s5 =	simm.s32 $_scs_section_size  }
0x9b: {  	s6 =	simm.s32 $_size__tile_overlayer_lowered;
	s7 =	simm.s32 $_tile_overlayer_lowered  }
0x9c: {  	s22 =	simm.s32 $0x1BFF;
	s21 =	sshll.u32 s7, $0x1;
	s4 =	sadd.s32 s5, s19  }
0x9d: {  	s8 =	simm.s32 $0x0;
	s20 =	sshll.u32 s6, $0x1;
	s6 =	sadd.s32 s21, s4  }
0x9e: {  	[timem:s8], [sflag:s22] =	dma.local [hbm:s6], s20  }
0x9f: {  	_ =	swait.ge [sflag:s22], s20  }
0xa0: {  	s5 =	ssub.s32 $0x0, s20;
	[sflag:s22] =	ssyncset.done $0x0  }
0xa1: {  	[sflag:s22] =	ssyncadd.s32 s5;
	_ =	sdelay $0x1  }
0xa2: {  	s23 =	simm.s32 $0x1B8B  }
0xa3: {  	_ =	swait.ge [sflag:s23], $0x1  }
0xa4: {  	[sflag:s23] =	ssyncset.done $0x0  }
0xa5: {  	s25 =	simm.s32 $0x1B8E;
	s24 =	sld [smem:$0x3FFE];
	[sflag:s23] =	ssyncadd.s32 $0xFFFFFFFF  }
0xa6: {  	s26 =	simm.s32 $execute0_lowered;
	[smem:$0x3FD2] =	sst s25  }
0xa7: {  	s6 =	sshll.u32 s26, $0x1;
	_ =	strace $0x80000046;
	[dreg:$0x1] =	wrdreg $0xFFFFFFFF  }
0xa8: {  	s28 =	simm.s32 $_size_execute0_lowered;
	s4 =	sadd.s32 s4, s6;
	[dreg:$0x0] =	wrdreg $0x0  }
0xa9: {  	s6 =	sshll.u32 s28, $0x1;
	[dreg:$0x2] =	wrdreg s4  }
0xaa: {  	[dreg:$0x3] =	wrdreg s6  }
0xab: {  	[dreg:$0x4] =	wrdreg $0xC0  }
0xac: {  	_ =	task [dreg:s8], $0x5FFFF  }
0xad: {  	[dreg:$0x1] =	wrdreg $0xFFFFFFFF  }
0xae: {  	[dreg:$0x0] =	wrdreg $0x60  }
0xaf: {  	[dreg:$0x2] =	wrdreg s2  }
0xb0: {  	[dreg:$0x3] =	wrdreg s24  }
0xb1: {  	[dreg:$0x4] =	wrdreg s18  }
0xb2: {  	[dreg:$0x5] =	wrdreg $0x9  }
0xb3: {  	_ =	task.clear_ibuf [dreg:s8], $0x6FFFF;
	_ =	strace $0x90000046  }
0xb4: {  	s29 =	simm.s32 $0x9;
	_ =	strace $0x80000048  }
0xb5: {  	_ =	swait.ge [sflag:s29], $0x1  }
0xb6: {  	[sflag:s29] =	ssyncadd.s32 $0xFFFFFFFF  }
0xb7: {  	_ =	strace $0x90000048  }
0xb8: {  	_ =	sfence  }
0xb9: {  	s30 =	sld [smem:$0x0];
	_ =	sdelay $0x2  }
0xba: {  	s31 =	sshll.u32 s1, $0xD;
	s1 =	sshrl.u32 s1, $0x2  }
0xbb: {  	s3 =	sand.u32 $0x4000, s31;
	s1 =	sadd.s32 s1, s30  }
0xbc: {  	s0 =	sor.u32 s3, s0;
	s1 =	sshll.u32 s1, $0x11  }
0xbd: {  	s0 =	sor.u32 s1, s0  }
0xbe: {  	s0 =	sadd.s32 $0x8F2B, s0  }
0xbf: {  	[sflag:s0] =	ssyncadd.remote.s32 $0x1  }
0xc0: {  	_ =	sfence.sel $0xFFFF  }
0xc1: {  	[dreg:$0x0] =	wrdreg $0xFFFFFFFF;
	(pc) =	sbr.abs _section_cstart, $3  }
0xc2: {  	[dreg:$0x1] =	wrdreg $0xFFFFFFFF  }
0xc3: {  	_ =	task.clear_ibuf [dreg:s8], $0x2FFFF;
	_ =	strace $0x9FFFFFFF  }
0xc4: {  	(tm) =	ssettm $0x7FFFFFFF  }
0xc5: {  	_ =	shalt  }
tec
execute0_lowered:
.L_overlay_start_1:
0x0: {  	(tag) =	ssettag $0x1  }
0x1: {  	s1 =	rddreg [dreg:$0x0]  }
0x2: {  	s4 =	rddreg [dreg:$0x1]  }
0x3: {  	s5 =	rddreg [dreg:$0x2]  }
0x4: {  	s0 =	rddreg [dreg:$0x3]  }
0x5: {  	s3 =	simm.s32 $0x0;
	s6 =	srdreg.scid;
	s2 =	stileid.u32  }
0x6: {  	s10 =	simm.s32 $0x0;
	[smem:$0x7FF] =	sst s3;
	s6 =	sand.u32 $0x1, s6  }
0x7: {  	s8 =	sshll.u32 s2, $0xC;
	s7 =	ssub.s32 $0x2, s6;
	s6 =	sshll.u32 s6, $0xB  }
0x8: {  	s4 =	sadd.s32 $0x600, s4;
	s9 =	sshrl.u32 s7, $0x1;
	s8 =	sor.u32 s6, s8  }
0x9: {  	_ =	strace $0x80000047;
	s29 =	ssub.s32 s7, s9;
	s30 =	sadd.s32 $0x800, s8  }
0xa: {  	s31 =	sshrl.u32 s8, $0x3;
	s7 =	simm.s32 $0x1;
	v0 =	vmov s8;
	s8 =	simm.s32 $0x1000  }
0xb: {  	v2 =	vimm.f32 $0.0e+00;
	s9 =	simm.s32 $0x1080;
	s5 =	sadd.s32 s5, s31;
	s6 =	smax.u32 s29, $0x1;
	v1 =	vmov s30  }
.LBB2_1:
0xc: {  	[tilespmem:s3], [sflag:$0x1] =	stream.linear.gather [hbm4b:s1+s3], $0x1000, $0x38;
	[tilespmem:$0x1880] =	vst v63  }
0xd: {  	_ =	swait.ge [sflag:s7], $0x1000  }
0xe: {  	[sflag:s7] =	ssyncset.done $0x0  }
0xf: {  	[sflag:s7] =	ssyncadd.s32 $0xFFFFF000  }
0x10: {  	[tilespmem:s8], [sflag:$0x1] =	stream.linear.gather [hbm4b:s4+s3], $0x80, $0x38;
	[tilespmem:$0x1880] =	vst v63  }
0x11: {  	_ =	swait.ge [sflag:s7], $0x80  }
0x12: {  	[sflag:s7] =	ssyncset.done $0x0  }
0x13: {  	s13 =	simm.s32 $0x10C0;
	[sflag:s7] =	ssyncadd.s32 $0xFFFFFF80  }
0x14: {  	v3 =	vld [tilespmem:$0x1000];
	[tilespmem:s13+$0xFFFFFFC0] =	vst v2  }
0x15: {  	[tilespmem:s13+$0x30] =	vst v2  }
0x16: {  	[tilespmem:s13+$0x20] =	vst v2  }
0x17: {  	[tilespmem:s13+$0x10] =	vst v2  }
0x18: {  	[tilespmem:s13+$0x0] =	vst v2  }
0x19: {  	[tilespmem:s13+$0xFFFFFFF0] =	vst v2  }
0x1a: {  	s11 =	simm.s32 $0xFFFFFFF8;
	s14 =	simm.s32 $0x0;
	[tilespmem:s13+$0xFFFFFFE0] =	vst v2  }
.LBB2_2:
0x1b: {  	s14 =	sadd.s32 $0x8, s14;
	[tilespmem:s13+$0xFFFFFFD0] =	vst v2;
	s13 =	sadd.s32 $0x80, s13;
	s12 =	simm.s32 $0x40  }
0x1c: {  	[tilespmem:s13+$0xFFFFFFC0] =	vst v2;
	p0 =	slt.u32 s14, $0x78  }
0x1d: {  	[tilespmem:s13+$0x30] =	vst v2  }
.Ltmp0:
0x1e: {  	[tilespmem:s13+$0x20] =	vst v2;
	(pc) =	sbr.rel @p0 .LBB2_2-.Ltmp0, $4  }
0x1f: {  	[tilespmem:s13+$0x10] =	vst v2  }
0x20: {  	[tilespmem:s13+$0x0] =	vst v2  }
0x21: {  	[tilespmem:s13+$0xFFFFFFF0] =	vst v2  }
0x22: {  	[tilespmem:s13+$0xFFFFFFE0] =	vst v2  }
0x23: {  	[tilespmem:s13+$0xFFFFFFD0] =	vst v2  }
.LBB2_4:
0x24: {  	v4 =	vld [tilespmem:s12+$0xFFFFFFC0];
	_ =	sdelay $0x4  }
0x25: {  	vm0 =	vge.s32 v4, v0;
	vm1 =	vlt.s32 v4, v1  }
0x26: {  	v4 =	vsub.s32 v4, v0;
	vm0 =	vmand vm0, vm1  }
0x27: {  	v4 =	vnsel vm0, $0x0, v4;
	_ =	sdelay $0x4  }
0x28: {  	[tilespmem:v4+s9+$0x0] =	vst.idx.msk vm0, v3  }
0x29: {  	v4 =	vld [tilespmem:s12+$0xFFFFFFD0];
	_ =	sdelay $0x4  }
0x2a: {  	vm14 =	vge.s32 v4, v0;
	vm15 =	vlt.s32 v4, v1  }
0x2b: {  	v4 =	vsub.s32 v4, v0;
	vm0 =	vmand vm14, vm15  }
0x2c: {  	v4 =	vnsel vm0, $0x0, v4;
	_ =	sdelay $0x4  }
0x2d: {  	[tilespmem:v4+s9+$0x0] =	vst.idx.msk vm0, v3  }
0x2e: {  	v4 =	vld [tilespmem:s12+$0xFFFFFFE0];
	_ =	sdelay $0x4  }
0x2f: {  	vm4 =	vge.s32 v4, v0;
	vm5 =	vlt.s32 v4, v1  }
0x30: {  	v4 =	vsub.s32 v4, v0;
	vm0 =	vmand vm4, vm5  }
0x31: {  	v4 =	vnsel vm0, $0x0, v4;
	_ =	sdelay $0x4  }
0x32: {  	[tilespmem:v4+s9+$0x0] =	vst.idx.msk vm0, v3  }
0x33: {  	v4 =	vld [tilespmem:s12+$0xFFFFFFF0];
	_ =	sdelay $0x4  }
0x34: {  	vm6 =	vge.s32 v4, v0;
	vm7 =	vlt.s32 v4, v1  }
0x35: {  	v4 =	vsub.s32 v4, v0;
	vm0 =	vmand vm6, vm7  }
0x36: {  	v4 =	vnsel vm0, $0x0, v4;
	_ =	sdelay $0x4  }
0x37: {  	[tilespmem:v4+s9+$0x0] =	vst.idx.msk vm0, v3  }
0x38: {  	v4 =	vld [tilespmem:s12+$0x0];
	_ =	sdelay $0x4  }
0x39: {  	vm8 =	vge.s32 v4, v0;
	vm9 =	vlt.s32 v4, v1  }
0x3a: {  	v4 =	vsub.s32 v4, v0;
	vm0 =	vmand vm8, vm9  }
0x3b: {  	v4 =	vnsel vm0, $0x0, v4;
	_ =	sdelay $0x4  }
0x3c: {  	[tilespmem:v4+s9+$0x0] =	vst.idx.msk vm0, v3  }
0x3d: {  	v4 =	vld [tilespmem:s12+$0x10];
	_ =	sdelay $0x4  }
0x3e: {  	vm10 =	vge.s32 v4, v0;
	vm11 =	vlt.s32 v4, v1  }
0x3f: {  	v4 =	vsub.s32 v4, v0;
	vm0 =	vmand vm10, vm11  }
0x40: {  	v4 =	vnsel vm0, $0x0, v4;
	_ =	sdelay $0x4  }
0x41: {  	[tilespmem:v4+s9+$0x0] =	vst.idx.msk vm0, v3  }
0x42: {  	v4 =	vld [tilespmem:s12+$0x20];
	_ =	sdelay $0x4  }
0x43: {  	vm12 =	vge.s32 v4, v0;
	vm13 =	vlt.s32 v4, v1  }
0x44: {  	v4 =	vsub.s32 v4, v0;
	vm0 =	vmand vm12, vm13  }
0x45: {  	v4 =	vnsel vm0, $0x0, v4;
	_ =	sdelay $0x4  }
0x46: {  	[tilespmem:v4+s9+$0x0] =	vst.idx.msk vm0, v3  }
0x47: {  	v4 =	vld [tilespmem:s12+$0x30];
	_ =	sdelay $0x4  }
0x48: {  	vm14 =	vge.s32 v4, v0;
	vm15 =	vlt.s32 v4, v1  }
0x49: {  	s11 =	sadd.s32 $0x8, s11;
	v4 =	vsub.s32 v4, v0;
	vm0 =	vmand vm14, vm15  }
0x4a: {  	p0 =	slt.u32 s11, $0xF8;
	v4 =	vnsel vm0, $0x0, v4  }
.Ltmp1:
0x4b: {  	_ = 	snop;
	(pc) =	sbr.rel @p0 .LBB2_4-.Ltmp1, $2  }
0x4c: {  	_ =	sdelay $0x2  }
0x4d: {  	s12 =	sadd.s32 $0x80, s12;
	[tilespmem:v4+s9+$0x0] =	vst.idx.msk vm0, v3  }
0x4e: {  	s10 =	sadd.s32 $0x1, s10  }
0x4f: {  	p0 =	sne.s32 s10, s6  }
.Ltmp2:
0x50: {  	_ = 	snop;
	(pc) =	sbr.rel @p0 .LBB2_1-.Ltmp2, $4  }
0x51: {  	[hbm4b:s5+s3] =	stream.linear.scatter [tilespmem:s9], [sflag:$0x1], $0x800, $0x38;
	[tilespmem:$0x1880] =	vst v63  }
0x52: {  	_ =	swait.ge [sflag:s7], $0x800  }
0x53: {  	[sflag:s7] =	ssyncset.done $0x0  }
0x54: {  	[sflag:s7] =	ssyncadd.s32 $0xFFFFF800  }
0x55: {  	_ =	sfence.sel $0x180000  }
0x56: {  	[bflag:$0x0] =	sbarrier.arrive $0xFFFF  }
0x57: {  	p0 =	sne.s32 s2, $0x0;
	_ =	strace $0x90000047  }
0x58: {  	s0 =	sadd.s32 @!p0 $0x100000, s0;
	[bflag:$0x2] =	sbarrier.arrive $0xFFFF  }
0x59: {  	[sflag:s0] =	ssyncadd.tile.s32 @!p0 $0x1;
	_ =	shalt  }
.Lfunc_end2:
_tile_overlayer_lowered:
.L_overlay_start_2:
0x5a: {  	(tag) =	ssettag $0x2  }
0x5b: {  	s0 =	rddreg [dreg:$0x0];
	s2 =	stileid.u32  }
0x5c: {  	s1 =	rddreg [dreg:$0x1];
	p0 =	sne.s32 s2, $0x0  }
0x5d: {  	s3 =	rddreg [dreg:$0x2];
	[bflag:$0x3] =	sbarrier.arrive $0xFFFF;
	s2 =	simm.s32 @!p0 $0x1C01  }
0x5e: {  	[timem:s3], [sflag:s2] =	dma.local @!p0 [hbm:s0], s1  }
0x5f: {  	s0 =	simm.s32 @!p0 $0x1  }
0x60: {  	_ =	swait.ge @!p0 [sflag:s0], s1  }
0x61: {  	s1 =	ssub.s32 @!p0 $0x0, s1;
	[sflag:s0] =	ssyncset.done @!p0 $0x0  }
0x62: {  	[sflag:s0] =	ssyncadd.s32 @!p0 s1  }
0x63: {  	[bflag:$0x3] =	sbarrier.arrive $0xFFFF  }
0x64: {  	_ =	shalt  }

</sc_bundles>
